<compile_context>
chip_gen: v7x
topology: tpu7x:2x2x1
jax: 0.10.2.dev20260603
libtpu: 0.0.44.dev20260713+nightly
codegen_flags: <defaults>
</compile_context>

<pallas_src>
import functools

import jax
import jax.numpy as jnp
from jax import lax
from jax.experimental import pallas as pl
from jax.experimental.pallas import tpu as pltpu
from jax.experimental.pallas import tpu_sc as plsc

NUM_CLASSES = 22
SEQ_LEN = 8192

_info = plsc.get_sparse_core_info()
_NC, _NS, _L = _info.num_cores, _info.num_subcores, _info.num_lanes
_NW = _NC * _NS
_NQ = 4
_GRP = _NW // _NQ
_CHUNK = SEQ_LEN // _NQ


@functools.partial(
    pl.kernel,
    mesh=plsc.VectorSubcoreMesh(core_axis_name="c", subcore_axis_name="s"),
    out_type=jax.ShapeDtypeStruct((1, NUM_CLASSES, SEQ_LEN), jnp.float32),
    scratch_types=[
        pltpu.VMEM((_CHUNK,), jnp.int32),
        pltpu.VMEM((_CHUNK,), jnp.float32),
    ],
)
def _onehot_sc(x_hbm, out_hbm, x_v, row_v):
    wid = lax.axis_index("s") * _NC + lax.axis_index("c")
    q = wid // _GRP
    k = wid % _GRP
    base = q * _CHUNK
    pltpu.sync_copy(x_hbm.at[pl.ds(base, _CHUNK)], x_v)
    one = jnp.full((_L,), 1.0, dtype=jnp.float32)
    zero = jnp.zeros((_L,), dtype=jnp.float32)

    def do_row(row):
        @plsc.parallel_loop(0, _CHUNK, step=_L, unroll=8)
        def _(off):
            xv = x_v[pl.ds(off, _L)]
            row_v[pl.ds(off, _L)] = jnp.where(xv == row, one, zero)

        pltpu.sync_copy(row_v, out_hbm.at[0, row, pl.ds(base, _CHUNK)])

    do_row(k)
    do_row(k + _GRP)

    @pl.when(k + 2 * _GRP < NUM_CLASSES)
    def _():
        do_row(k + 2 * _GRP)


def kernel(x):
    return _onehot_sc(x.astype(jnp.int32))

# --- scband reference (transcript-rebuilt; emitter-appended) ---
"""Pipeline reference for scband-one-hot-17669495456465 (READ-ONLY COPY).

The authoritative reference and input builder live on the scoring server;
editing this copy changes nothing except your own understanding.
"""

import jax, jax.numpy as jnp
import numpy as np

NUM_WORDS = 22  # len(['A','R','N','D','B','C','E','Q','Z','G','H','I','L','K','M','F','P','S','T','W','Y','V'])

def setup_inputs(seed: int = 0) -> dict:
    key = jax.random.key(seed)
    x = jax.random.randint(key, (8192,), 0, NUM_WORDS, dtype=jnp.int64 if jax.config.jax_enable_x64 else jnp.int32)
    return {"x": x}

def reference(x):
    # Original: emb_i = [onehot(tla_codes.index(w_i), num_words) for w_i in x]
    # -> stacked one-hot rows [L, num_words]; x here already holds the indices.
    # Implemented as a gather into an identity codebook (embedding lookup).
    eye = jnp.eye(NUM_WORDS, dtype=jnp.float32)
    emb = jnp.take(eye, x, axis=0)      # [L, 22]
    emb = emb.T                          # [22, L]  (torch .t())
    a, b = emb.shape
    emb = emb.reshape(1, a, b)           # view(1, x, y)
    return emb

if __name__ == "__main__":
    import jax
    _d = setup_inputs()
    print(jax.jit(kernel)(*tuple(_d.values())))

</pallas_src>

<mosaic_0001>
#map = affine_map<(d0, d1) -> (0)>
#map1 = affine_map<(d0, d1) -> (0, 0, 0)>
module attributes {stable_mosaic.version = 14 : i64} {
  func.func @_onehot_sc(%arg0: i32, %arg1: i32, %arg2: memref<8192xi32, #tpu.memory_space<hbm>>, %arg3: memref<1x22x8192xf32, #tpu.memory_space<hbm>>, %arg4: memref<2048xi32, #tpu.memory_space<vmem>>, %arg5: memref<2048xf32, #tpu.memory_space<vmem>>) attributes {dimension_semantics = [#tpu.dimension_semantics<core_parallel>, #tpu.dimension_semantics<subcore_parallel>], iteration_bounds = array<i64: 2, 16>, scalar_prefetch = 0 : i64, scratch_operands = 2 : i64, tpu.core_type = #tpu.core_type<sc_vector_subcore>, window_params = [{transform_indices = #map}, {transform_indices = #map1}]} {
    %mul3A = arith.constant 2 : i32
    %mul3A_0 = arith.muli %arg1, %mul3A : i32
    %add3A = arith.addi %mul3A_0, %arg0 : i32
    %jit3A = arith.constant 8 : i32
    %div3A = arith.divsi %add3A, %jit3A : i32
    %sign3A = arith.constant 0 : i32
    %sign3A_1 = arith.cmpi sgt, %add3A, %sign3A : i32
    %sign3A_2 = arith.extui %sign3A_1 : i1 to i32
    %sign3A_3 = arith.constant 0 : i32
    %sign3A_4 = arith.cmpi slt, %add3A, %sign3A_3 : i32
    %sign3A_5 = arith.extui %sign3A_4 : i1 to i32
    %sign3A_6 = arith.subi %sign3A_2, %sign3A_5 : i32
    %sign3A_7 = arith.constant 0 : i32
    %sign3A_8 = arith.cmpi sgt, %jit3A, %sign3A_7 : i32
    %sign3A_9 = arith.extui %sign3A_8 : i1 to i32
    %sign3A_10 = arith.constant 0 : i32
    %sign3A_11 = arith.cmpi slt, %jit3A, %sign3A_10 : i32
    %sign3A_12 = arith.extui %sign3A_11 : i1 to i32
    %sign3A_13 = arith.subi %sign3A_9, %sign3A_12 : i32
    %ne3A = arith.cmpi ne, %sign3A_6, %sign3A_13 : i32
    %rem3A = arith.remsi %add3A, %jit3A : i32
    %ne3A_14 = arith.constant 0 : i32
    %ne3A_15 = arith.cmpi ne, %rem3A, %ne3A_14 : i32
    %and3A = arith.andi %ne3A, %ne3A_15 : i1
    %sub3A = arith.constant 1 : i32
    %sub3A_16 = arith.subi %div3A, %sub3A : i32
    %select_n3A = arith.select %and3A, %sub3A_16, %div3A : i32
    %jit3A_17 = arith.constant 8 : i32
    %eq3A = arith.constant 0 : i32
    %eq3A_18 = arith.cmpi eq, %jit3A_17, %eq3A : i32
    %jit3A_19 = arith.constant 1 : i32
    %select_n3A_20 = arith.select %eq3A_18, %jit3A_19, %jit3A_17 : i32
    %rem3A_21 = arith.remsi %add3A, %select_n3A_20 : i32
    %ne3A_22 = arith.constant 0 : i32
    %ne3A_23 = arith.cmpi ne, %rem3A_21, %ne3A_22 : i32
    %lt3A = arith.constant 0 : i32
    %lt3A_24 = arith.cmpi slt, %rem3A_21, %lt3A : i32
    %lt3A_25 = arith.constant 0 : i32
    %lt3A_26 = arith.cmpi slt, %select_n3A_20, %lt3A_25 : i32
    %ne3A_27 = arith.xori %lt3A_24, %lt3A_26 : i1
    %and3A_28 = arith.andi %ne3A_27, %ne3A_23 : i1
    %add3A_29 = arith.addi %rem3A_21, %select_n3A_20 : i32
    %select_n3A_30 = arith.select %and3A_28, %add3A_29, %rem3A_21 : i32
    %mul3A_31 = arith.constant 2048 : i32
    %mul3A_32 = arith.muli %select_n3A, %mul3A_31 : i32
    "tpu.region"() ({
      %run_scoped3A_49 = tpu.sem_alloc : memref<!tpu.dma_semaphore, #tpu.memory_space<semaphore_mem>>
      %dma_start3A = tpu.memref_slice %arg2[%mul3A_32] : memref<8192xi32, #tpu.memory_space<hbm>> -> memref<2048xi32, #tpu.memory_space<hbm>>
      %dma_start3A_50 = tpu.memref_slice %arg2[%mul3A_32] : memref<8192xi32, #tpu.memory_space<hbm>> -> memref<2048xi32, #tpu.memory_space<hbm>>
      tpu.enqueue_dma source(%dma_start3A_50 : memref<2048xi32, #tpu.memory_space<hbm>>) target(%arg4 : memref<2048xi32, #tpu.memory_space<vmem>>) target_semaphore(%run_scoped3A_49 : memref<!tpu.dma_semaphore, #tpu.memory_space<semaphore_mem>>)
      %dma_wait3A = tpu.memref_slice %arg2[%mul3A_32] : memref<8192xi32, #tpu.memory_space<hbm>> -> memref<2048xi32, #tpu.memory_space<hbm>>
      %dma_wait3A_51 = tpu.memref_slice %arg2[%mul3A_32] : memref<8192xi32, #tpu.memory_space<hbm>> -> memref<2048xi32, #tpu.memory_space<hbm>>
      tpu.wait_dma2 semaphore(%run_scoped3A_49 : memref<!tpu.dma_semaphore, #tpu.memory_space<semaphore_mem>>) src(%dma_wait3A_51 : memref<2048xi32, #tpu.memory_space<hbm>>) dst(%arg4 : memref<2048xi32, #tpu.memory_space<vmem>>)
      tpu.yield
    }) : () -> ()
    %broadcast_in_dim3A = arith.constant 1.000000e+00 : f32
    %broadcast_in_dim3A_33 = vector.broadcast %broadcast_in_dim3A : f32 to vector<16xf32>
    %broadcast_in_dim3A_34 = arith.constant 0.000000e+00 : f32
    %broadcast_in_dim3A_35 = vector.broadcast %broadcast_in_dim3A_34 : f32 to vector<16xf32>
    %parallel_loop3A = arith.constant 0 : i32
    %parallel_loop3A_36 = arith.constant 2048 : i32
    %parallel_loop3A_37 = arith.constant 16 : i32
    scf.for %parallel_loop3A_49 = %parallel_loop3A to %parallel_loop3A_36 step %parallel_loop3A_37  : i32 {
      %parallel_loop3A_50 = arith.index_cast %parallel_loop3A_49 : i32 to index
      %parallel_loop3A_51 = tpu.vector_load %arg4[%parallel_loop3A_50] {strides = array<i32>} : memref<2048xi32, #tpu.memory_space<vmem>>, vector<16xi32>,
      %parallel_loop3A_52 = vector.shape_cast %parallel_loop3A_51 : vector<16xi32> to vector<16xi32>
      %parallel_loop3A_53 = vector.broadcast %select_n3A_30 : i32 to vector<16xi32>
      %parallel_loop3A_54 = arith.cmpi eq, %parallel_loop3A_52, %parallel_loop3A_53 : vector<16xi32>
      %parallel_loop3A_55 = arith.select %parallel_loop3A_54, %broadcast_in_dim3A_33, %broadcast_in_dim3A_35 : vector<16xi1>, vector<16xf32>
      %parallel_loop3A_56 = arith.index_cast %parallel_loop3A_49 : i32 to index
      %parallel_loop3A_57 = tpu.vector_load %arg5[%parallel_loop3A_56] {strides = array<i32>} : memref<2048xf32, #tpu.memory_space<vmem>>, vector<16xf32>,
      %parallel_loop3A_58 = vector.shape_cast %parallel_loop3A_57 : vector<16xf32> to vector<16xf32>
      %parallel_loop3A_59 = vector.shape_cast %parallel_loop3A_55 : vector<16xf32> to vector<16xf32>
      tpu.vector_store %arg5[%parallel_loop3A_56], %parallel_loop3A_59 {strides = array<i32>} : memref<2048xf32, #tpu.memory_space<vmem>>, vector<16xf32>,
    } {sc.loop_unroll_factor = 8 : i64, sc.parallel_access}
    %run_scoped3A = arith.constant 0 : i32
    "tpu.region"() ({
      %run_scoped3A_49 = tpu.sem_alloc : memref<!tpu.dma_semaphore, #tpu.memory_space<semaphore_mem>>
      %dma_start3A = tpu.memref_slice %arg3[%run_scoped3A, %select_n3A_30, %mul3A_32] : memref<1x22x8192xf32, #tpu.memory_space<hbm>> -> memref<1x1x2048xf32, #tpu.memory_space<hbm>>
      %dma_start3A_50 = tpu.memref_squeeze %dma_start3A : memref<1x1x2048xf32, #tpu.memory_space<hbm>> -> memref<2048xf32, #tpu.memory_space<hbm>>
      %dma_start3A_51 = tpu.memref_slice %arg3[%run_scoped3A, %select_n3A_30, %mul3A_32] : memref<1x22x8192xf32, #tpu.memory_space<hbm>> -> memref<1x1x2048xf32, #tpu.memory_space<hbm>>
      %dma_start3A_52 = tpu.memref_squeeze %dma_start3A_51 : memref<1x1x2048xf32, #tpu.memory_space<hbm>> -> memref<2048xf32, #tpu.memory_space<hbm>>
      tpu.enqueue_dma source(%arg5 : memref<2048xf32, #tpu.memory_space<vmem>>) target(%dma_start3A_52 : memref<2048xf32, #tpu.memory_space<hbm>>) target_semaphore(%run_scoped3A_49 : memref<!tpu.dma_semaphore, #tpu.memory_space<semaphore_mem>>)
      %dma_wait3A = tpu.memref_slice %arg3[%run_scoped3A, %select_n3A_30, %mul3A_32] : memref<1x22x8192xf32, #tpu.memory_space<hbm>> -> memref<1x1x2048xf32, #tpu.memory_space<hbm>>
      %dma_wait3A_53 = tpu.memref_squeeze %dma_wait3A : memref<1x1x2048xf32, #tpu.memory_space<hbm>> -> memref<2048xf32, #tpu.memory_space<hbm>>
      %dma_wait3A_54 = tpu.memref_slice %arg3[%run_scoped3A, %select_n3A_30, %mul3A_32] : memref<1x22x8192xf32, #tpu.memory_space<hbm>> -> memref<1x1x2048xf32, #tpu.memory_space<hbm>>
      %dma_wait3A_55 = tpu.memref_squeeze %dma_wait3A_54 : memref<1x1x2048xf32, #tpu.memory_space<hbm>> -> memref<2048xf32, #tpu.memory_space<hbm>>
      tpu.wait_dma2 semaphore(%run_scoped3A_49 : memref<!tpu.dma_semaphore, #tpu.memory_space<semaphore_mem>>) src(%arg5 : memref<2048xf32, #tpu.memory_space<vmem>>) dst(%dma_wait3A_55 : memref<2048xf32, #tpu.memory_space<hbm>>)
      tpu.yield
    }) : () -> ()
    %add3A_38 = arith.constant 8 : i32
    %add3A_39 = arith.addi %select_n3A_30, %add3A_38 : i32
    %parallel_loop3A_40 = arith.constant 0 : i32
    %parallel_loop3A_41 = arith.constant 2048 : i32
    %parallel_loop3A_42 = arith.constant 16 : i32
    scf.for %parallel_loop3A_49 = %parallel_loop3A_40 to %parallel_loop3A_41 step %parallel_loop3A_42  : i32 {
      %parallel_loop3A_50 = arith.index_cast %parallel_loop3A_49 : i32 to index
      %parallel_loop3A_51 = tpu.vector_load %arg4[%parallel_loop3A_50] {strides = array<i32>} : memref<2048xi32, #tpu.memory_space<vmem>>, vector<16xi32>,
      %parallel_loop3A_52 = vector.shape_cast %parallel_loop3A_51 : vector<16xi32> to vector<16xi32>
      %parallel_loop3A_53 = vector.broadcast %add3A_39 : i32 to vector<16xi32>
      %parallel_loop3A_54 = arith.cmpi eq, %parallel_loop3A_52, %parallel_loop3A_53 : vector<16xi32>
      %parallel_loop3A_55 = arith.select %parallel_loop3A_54, %broadcast_in_dim3A_33, %broadcast_in_dim3A_35 : vector<16xi1>, vector<16xf32>
      %parallel_loop3A_56 = arith.index_cast %parallel_loop3A_49 : i32 to index
      %parallel_loop3A_57 = tpu.vector_load %arg5[%parallel_loop3A_56] {strides = array<i32>} : memref<2048xf32, #tpu.memory_space<vmem>>, vector<16xf32>,
      %parallel_loop3A_58 = vector.shape_cast %parallel_loop3A_57 : vector<16xf32> to vector<16xf32>
      %parallel_loop3A_59 = vector.shape_cast %parallel_loop3A_55 : vector<16xf32> to vector<16xf32>
      tpu.vector_store %arg5[%parallel_loop3A_56], %parallel_loop3A_59 {strides = array<i32>} : memref<2048xf32, #tpu.memory_space<vmem>>, vector<16xf32>,
    } {sc.loop_unroll_factor = 8 : i64, sc.parallel_access}
    %run_scoped3A_43 = arith.constant 0 : i32
    "tpu.region"() ({
      %run_scoped3A_49 = tpu.sem_alloc : memref<!tpu.dma_semaphore, #tpu.memory_space<semaphore_mem>>
      %dma_start3A = tpu.memref_slice %arg3[%run_scoped3A_43, %add3A_39, %mul3A_32] : memref<1x22x8192xf32, #tpu.memory_space<hbm>> -> memref<1x1x2048xf32, #tpu.memory_space<hbm>>
      %dma_start3A_50 = tpu.memref_squeeze %dma_start3A : memref<1x1x2048xf32, #tpu.memory_space<hbm>> -> memref<2048xf32, #tpu.memory_space<hbm>>
      %dma_start3A_51 = tpu.memref_slice %arg3[%run_scoped3A_43, %add3A_39, %mul3A_32] : memref<1x22x8192xf32, #tpu.memory_space<hbm>> -> memref<1x1x2048xf32, #tpu.memory_space<hbm>>
      %dma_start3A_52 = tpu.memref_squeeze %dma_start3A_51 : memref<1x1x2048xf32, #tpu.memory_space<hbm>> -> memref<2048xf32, #tpu.memory_space<hbm>>
      tpu.enqueue_dma source(%arg5 : memref<2048xf32, #tpu.memory_space<vmem>>) target(%dma_start3A_52 : memref<2048xf32, #tpu.memory_space<hbm>>) target_semaphore(%run_scoped3A_49 : memref<!tpu.dma_semaphore, #tpu.memory_space<semaphore_mem>>)
      %dma_wait3A = tpu.memref_slice %arg3[%run_scoped3A_43, %add3A_39, %mul3A_32] : memref<1x22x8192xf32, #tpu.memory_space<hbm>> -> memref<1x1x2048xf32, #tpu.memory_space<hbm>>
      %dma_wait3A_53 = tpu.memref_squeeze %dma_wait3A : memref<1x1x2048xf32, #tpu.memory_space<hbm>> -> memref<2048xf32, #tpu.memory_space<hbm>>
      %dma_wait3A_54 = tpu.memref_slice %arg3[%run_scoped3A_43, %add3A_39, %mul3A_32] : memref<1x22x8192xf32, #tpu.memory_space<hbm>> -> memref<1x1x2048xf32, #tpu.memory_space<hbm>>
      %dma_wait3A_55 = tpu.memref_squeeze %dma_wait3A_54 : memref<1x1x2048xf32, #tpu.memory_space<hbm>> -> memref<2048xf32, #tpu.memory_space<hbm>>
      tpu.wait_dma2 semaphore(%run_scoped3A_49 : memref<!tpu.dma_semaphore, #tpu.memory_space<semaphore_mem>>) src(%arg5 : memref<2048xf32, #tpu.memory_space<vmem>>) dst(%dma_wait3A_55 : memref<2048xf32, #tpu.memory_space<hbm>>)
      tpu.yield
    }) : () -> ()
    %add3A_44 = arith.constant 16 : i32
    %add3A_45 = arith.addi %select_n3A_30, %add3A_44 : i32
    %lt3A_46 = arith.constant 22 : i32
    %lt3A_47 = arith.cmpi slt, %add3A_45, %lt3A_46 : i32
    %convert_element_type3A = arith.extui %lt3A_47 : i1 to i32
    %cond3A = arith.constant 0 : i32
    %cond3A_48 = arith.cmpi ne, %convert_element_type3A, %cond3A : i32
    scf.if %cond3A_48 {
      %add3A_49 = arith.constant 16 : i32
      %add3A_50 = arith.addi %select_n3A_30, %add3A_49 : i32
      %parallel_loop3A_51 = arith.constant 0 : i32
      %parallel_loop3A_52 = arith.constant 2048 : i32
      %parallel_loop3A_53 = arith.constant 16 : i32
      scf.for %parallel_loop3A_55 = %parallel_loop3A_51 to %parallel_loop3A_52 step %parallel_loop3A_53  : i32 {
        %parallel_loop3A_56 = arith.index_cast %parallel_loop3A_55 : i32 to index
        %parallel_loop3A_57 = tpu.vector_load %arg4[%parallel_loop3A_56] {strides = array<i32>} : memref<2048xi32, #tpu.memory_space<vmem>>, vector<16xi32>,
        %parallel_loop3A_58 = vector.shape_cast %parallel_loop3A_57 : vector<16xi32> to vector<16xi32>
        %parallel_loop3A_59 = vector.broadcast %add3A_50 : i32 to vector<16xi32>
        %parallel_loop3A_60 = arith.cmpi eq, %parallel_loop3A_58, %parallel_loop3A_59 : vector<16xi32>
        %parallel_loop3A_61 = arith.select %parallel_loop3A_60, %broadcast_in_dim3A_33, %broadcast_in_dim3A_35 : vector<16xi1>, vector<16xf32>
        %parallel_loop3A_62 = arith.index_cast %parallel_loop3A_55 : i32 to index
        %parallel_loop3A_63 = tpu.vector_load %arg5[%parallel_loop3A_62] {strides = array<i32>} : memref<2048xf32, #tpu.memory_space<vmem>>, vector<16xf32>,
        %parallel_loop3A_64 = vector.shape_cast %parallel_loop3A_63 : vector<16xf32> to vector<16xf32>
        %parallel_loop3A_65 = vector.shape_cast %parallel_loop3A_61 : vector<16xf32> to vector<16xf32>
        tpu.vector_store %arg5[%parallel_loop3A_62], %parallel_loop3A_65 {strides = array<i32>} : memref<2048xf32, #tpu.memory_space<vmem>>, vector<16xf32>,
      } {sc.loop_unroll_factor = 8 : i64, sc.parallel_access}
      %run_scoped3A_54 = arith.constant 0 : i32
      "tpu.region"() ({
        %run_scoped3A_55 = tpu.sem_alloc : memref<!tpu.dma_semaphore, #tpu.memory_space<semaphore_mem>>
        %dma_start3A = tpu.memref_slice %arg3[%run_scoped3A_54, %add3A_50, %mul3A_32] : memref<1x22x8192xf32, #tpu.memory_space<hbm>> -> memref<1x1x2048xf32, #tpu.memory_space<hbm>>
        %dma_start3A_56 = tpu.memref_squeeze %dma_start3A : memref<1x1x2048xf32, #tpu.memory_space<hbm>> -> memref<2048xf32, #tpu.memory_space<hbm>>
        %dma_start3A_57 = tpu.memref_slice %arg3[%run_scoped3A_54, %add3A_50, %mul3A_32] : memref<1x22x8192xf32, #tpu.memory_space<hbm>> -> memref<1x1x2048xf32, #tpu.memory_space<hbm>>
        %dma_start3A_58 = tpu.memref_squeeze %dma_start3A_57 : memref<1x1x2048xf32, #tpu.memory_space<hbm>> -> memref<2048xf32, #tpu.memory_space<hbm>>
        tpu.enqueue_dma source(%arg5 : memref<2048xf32, #tpu.memory_space<vmem>>) target(%dma_start3A_58 : memref<2048xf32, #tpu.memory_space<hbm>>) target_semaphore(%run_scoped3A_55 : memref<!tpu.dma_semaphore, #tpu.memory_space<semaphore_mem>>)
        %dma_wait3A = tpu.memref_slice %arg3[%run_scoped3A_54, %add3A_50, %mul3A_32] : memref<1x22x8192xf32, #tpu.memory_space<hbm>> -> memref<1x1x2048xf32, #tpu.memory_space<hbm>>
        %dma_wait3A_59 = tpu.memref_squeeze %dma_wait3A : memref<1x1x2048xf32, #tpu.memory_space<hbm>> -> memref<2048xf32, #tpu.memory_space<hbm>>
        %dma_wait3A_60 = tpu.memref_slice %arg3[%run_scoped3A_54, %add3A_50, %mul3A_32] : memref<1x22x8192xf32, #tpu.memory_space<hbm>> -> memref<1x1x2048xf32, #tpu.memory_space<hbm>>
        %dma_wait3A_61 = tpu.memref_squeeze %dma_wait3A_60 : memref<1x1x2048xf32, #tpu.memory_space<hbm>> -> memref<2048xf32, #tpu.memory_space<hbm>>
        tpu.wait_dma2 semaphore(%run_scoped3A_55 : memref<!tpu.dma_semaphore, #tpu.memory_space<semaphore_mem>>) src(%arg5 : memref<2048xf32, #tpu.memory_space<vmem>>) dst(%dma_wait3A_61 : memref<2048xf32, #tpu.memory_space<hbm>>)
        tpu.yield
      }) : () -> ()
    } else {
    }
    return
  }
}

</mosaic_0001>

<sc_bundles>
// kernel: kernel.3.cloned.1.call-start
scs
__scs_entry_jumppad:
0x0: {  	(pc) =	sbr.rel $0x88, $3  }
0x1: {  	(tag) =	ssettag $0x0;
	lr =	simm.s32 $0x1  }
0x2: {  	[smem:$0x3FA0] =	sst lr;
	_ =	strace $0xD0000000  }
0x3: {  	_ = 	snop  }
0x4: {  	_ = 	snop  }
0x5: {  	_ = 	snop  }
0x6: {  	_ = 	snop  }
0x7: {  	_ = 	snop  }
__scs_overlays_trampoline_lowered:
0x8: {  	[smem:$0x3FAF] =	sst s0  }
0x9: {  	[smem:$0x3FB0] =	sst s1  }
0xa: {  	[smem:$0x3FB1] =	sst s2  }
0xb: {  	[smem:$0x3FB2] =	sst s3  }
0xc: {  	[smem:$0x3FB3] =	sst s4  }
0xd: {  	[smem:$0x3FB4] =	sst s5  }
0xe: {  	[smem:$0x3FB5] =	sst s6  }
0xf: {  	[smem:$0x3FB6] =	sst s7  }
0x10: {  	[smem:$0x3FB7] =	sst s8  }
0x11: {  	[smem:$0x3FB8] =	sst s9;
	s0 =	simm.s32 @!p0 $0x0  }
0x12: {  	s1 =	sld [smem:$0x3F9E];
	s0 =	simm.s32 @p0 $0x1  }
0x13: {  	[smem:$0x3FB9] =	sst s0;
	s0 =	simm.s32 @!p1 $0x0  }
0x14: {  	s2 =	sld [smem:$0x3F9D];
	s0 =	simm.s32 @p1 $0x1  }
0x15: {  	[smem:$0x3FBA] =	sst s0;
	s0 =	simm.s32 @!p2 $0x0  }
0x16: {  	s3 =	sld [smem:$0x3FDB];
	s0 =	simm.s32 @p2 $0x1  }
0x17: {  	s4 =	simm.s32 $0x1BF5;
	[smem:$0x3FBC] =	sst s0  }
0x18: {  	s0 =	sld [smem:$0x3F9F];
	_ =	swait.ge [sflag:s4], $0x0  }
0x19: {  	s7 =	sld [smem:$0x3FA0]  }
0x1a: {  	s8 =	sadd.s32 $0xFFFFE003, lr  }
0x1b: {  	s9 =	sadd.s32 $0xFFFFFEF7, lr;
	s5 =	simm.s32 $0xFFFFFFFF;
	p2 =	slt.u32 s8, $0xFFFFF086  }
0x1c: {  	p1 =	slt.u32 s9, $0xF7A;
	s5 =	simm.s32 @!p2 $0x0  }
0x1d: {  	s5 =	simm.s32 @p1 $0x1;
	p0 =	seq.s32 s7, s2  }
0x1e: {  	s7 =	smul.u32 @!p0 $0xF7A, s2;
	p2 =	seq.s32 @!p0 s5, $0x0  }
0x1f: {  	s9 =	smul.u32 $0xF7A, s1;
	s8 =	simm.s32 @!p0 $0x1BF5;
	p2 =	por !p2, p0  }
0x20: {  	[sflag:s8] =	ssyncset.s32 @!p0 $0xFFFFF086;
	s6 =	sadd.s32 @!p0 s3, s7;
	s7 =	simm.s32 @!p0 $0x108  }
0x21: {  	s3 =	sadd.s32 s3, s9;
	s6 =	sadd.s32 @!p0 $0x88, s6;
	s7 =	simm.s32 @p2 $0x1082  }
0x22: {  	[simem:s7], [sflag:s8] =	dma.local @!p0 [hbm:s6], $0xF7A  }
0x23: {  	s9 =	sor.u32 $0xD0000000, s2;
	s6 =	simm.s32 $0x108;
	_ =	swait.ge @!p0 [sflag:s8], $0x0  }
0x24: {  	s3 =	sadd.s32 $0x88, s3;
	s6 =	simm.s32 @!p1 $0x1082;
	[sflag:s4] =	ssyncset.s32 $0xFFFFF086  }
0x25: {  	[simem:s6], [sflag:s4] =	dma.local [hbm:s3], $0xF7A  }
0x26: {  	[smem:$0x3FA0] =	sst s1;
	(tag) =	ssettag s2;
	_ =	strace s9  }
0x27: {  	s1 =	sld [smem:$0x3FB0]  }
0x28: {  	s2 =	sld [smem:$0x3FB1]  }
0x29: {  	s4 =	sld [smem:$0x3FB3]  }
0x2a: {  	p0 =	seq.s32 s5, $0x0;
	s5 =	sld [smem:$0x3FB4]  }
0x2b: {  	s6 =	sld [smem:$0x3FB5]  }
0x2c: {  	s7 =	sld [smem:$0x3FB6]  }
0x2d: {  	s3 =	simm.s32 $0x108;
	s8 =	sld [smem:$0x3FB7]  }
0x2e: {  	s3 =	simm.s32 @!p0 $0x1082;
	s9 =	sld [smem:$0x3FB8]  }
0x2f: {  	lr =	sadd.s32 s0, s3;
	s0 =	sld [smem:$0x3FAF]  }
0x30: {  	s3 =	sld [smem:$0x3FB2]  }
0x31: {  	[smem:$0x3FBB] =	sst s10  }
0x32: {  	s10 =	sld [smem:$0x3FB9];
	_ =	sdelay $0x3  }
0x33: {  	p0 =	seq.s32 s10, $0x1;
	s10 =	sld [smem:$0x3FBB];
	_ =	sdelay $0x3  }
0x34: {  	[smem:$0x3FBB] =	sst s10  }
0x35: {  	s10 =	sld [smem:$0x3FBA];
	_ =	sdelay $0x3  }
0x36: {  	p1 =	seq.s32 s10, $0x1;
	s10 =	sld [smem:$0x3FBB];
	_ =	sdelay $0x3  }
0x37: {  	[smem:$0x3FBB] =	sst s10  }
0x38: {  	s10 =	sld [smem:$0x3FBC]  }
0x39: {  	_ = 	snop;
	(pc) =	sbr.ind lr, $3  }
0x3a: {  	_ = 	snop  }
0x3b: {  	_ = 	snop  }
0x3c: {  	p2 =	seq.s32 s10, $0x1;
	s10 =	sld [smem:$0x3FBB]  }
0x3d: {  	_ =	shalt  }
0x3e: {  	_ =	shalt  }
0x3f: {  	_ =	shalt  }
0x40: {  	_ =	shalt  }
0x41: {  	_ =	shalt  }
0x42: {  	_ =	shalt  }
0x43: {  	_ =	shalt  }
0x44: {  	_ =	shalt  }
0x45: {  	_ =	shalt  }
0x46: {  	_ =	shalt  }
0x47: {  	_ =	shalt  }
0x48: {  	_ =	shalt  }
0x49: {  	_ =	shalt  }
0x4a: {  	_ =	shalt  }
0x4b: {  	_ =	shalt  }
0x4c: {  	_ =	shalt  }
0x4d: {  	_ =	shalt  }
0x4e: {  	_ =	shalt  }
0x4f: {  	_ =	shalt  }
0x50: {  	_ =	shalt  }
0x51: {  	_ =	shalt  }
0x52: {  	_ =	shalt  }
0x53: {  	_ =	shalt  }
0x54: {  	_ =	shalt  }
0x55: {  	_ =	shalt  }
0x56: {  	_ =	shalt  }
0x57: {  	_ =	shalt  }
0x58: {  	_ =	shalt  }
0x59: {  	_ =	shalt  }
0x5a: {  	_ =	shalt  }
0x5b: {  	_ =	shalt  }
0x5c: {  	_ =	shalt  }
0x5d: {  	_ =	shalt  }
0x5e: {  	_ =	shalt  }
0x5f: {  	_ =	shalt  }
0x60: {  	_ =	shalt  }
0x61: {  	_ =	shalt  }
0x62: {  	_ =	shalt  }
0x63: {  	_ =	shalt  }
0x64: {  	_ =	shalt  }
0x65: {  	_ =	shalt  }
0x66: {  	_ =	shalt  }
0x67: {  	_ =	shalt  }
0x68: {  	_ =	shalt  }
0x69: {  	_ =	shalt  }
0x6a: {  	_ =	shalt  }
0x6b: {  	_ =	shalt  }
0x6c: {  	_ =	shalt  }
0x6d: {  	_ =	shalt  }
0x6e: {  	_ =	shalt  }
0x6f: {  	_ =	shalt  }
0x70: {  	_ =	shalt  }
0x71: {  	_ =	shalt  }
0x72: {  	_ =	shalt  }
0x73: {  	_ =	shalt  }
0x74: {  	_ =	shalt  }
0x75: {  	_ =	shalt  }
0x76: {  	_ =	shalt  }
0x77: {  	_ =	shalt  }
0x78: {  	_ =	shalt  }
0x79: {  	_ =	shalt  }
0x7a: {  	_ =	shalt  }
0x7b: {  	_ =	shalt  }
0x7c: {  	_ =	shalt  }
0x7d: {  	_ =	shalt  }
0x7e: {  	_ =	shalt  }
0x7f: {  	_ =	shalt  }
0x80: {  	_ =	shalt  }
0x81: {  	_ =	shalt  }
0x82: {  	_ =	shalt  }
0x83: {  	_ =	shalt  }
0x84: {  	_ =	shalt  }
0x85: {  	_ =	shalt  }
0x86: {  	_ =	shalt  }
0x87: {  	_ =	shalt  }
.Lfunc_end0:
.L_simem_size_0:
called_computation_lowered:
.L_overlay_start_0:
0x88: {  	s2 =	sld [smem:$0x3FD9]  }
0x89: {  	s3 =	sld [smem:$0x3FFE];
	_ =	sdelay $0x1  }
0x8a: {  	s1 =	srdreg.scid  }
0x8b: {  	s0 =	sand.u32 $0x1, s1  }
0x8c: {  	s17 =	sshll.u32 s0, $0xA;
	s2 =	sadd.s32 s3, s2  }
0x8d: {  	s2 =	sadd.s32 s2, s17  }
0x8e: {  	[smem:$0x3FC7] =	sst s2  }
0x8f: {  	_ = 	snop  }
0x90: {  	s2 =	sld [smem:$0x3FC9];
	(tm) =	ssettm $0x1  }
0x91: {  	s18 =	sld [smem:$0x3FFB];
	_ =	sdelay $0x3  }
0x92: {  	_ =	strace s18  }
0x93: {  	s3 =	sld [smem:$0x3FFC];
	_ =	sdelay $0x3  }
0x94: {  	_ =	strace s3  }
0x95: {  	s3 =	sld [smem:$0x3FFD];
	_ =	sdelay $0x3  }
0x96: {  	_ =	strace s3  }
0x97: {  	_ =	strace $0x8FFFFFFF  }
0x98: {  	s19 =	sld [smem:$0x3FDB];
	_ =	sdelay $0x1  }
0x99: {  	s4 =	simm.s32 $_scs_section_size  }
0x9a: {  	s5 =	simm.s32 $_size__tile_overlayer_lowered;
	s6 =	simm.s32 $_tile_overlayer_lowered  }
0x9b: {  	s22 =	simm.s32 $0x1BFF;
	s21 =	sshll.u32 s6, $0x1;
	s3 =	sadd.s32 s4, s19  }
0x9c: {  	s7 =	simm.s32 $0x0;
	s20 =	sshll.u32 s5, $0x1;
	s5 =	sadd.s32 s21, s3  }
0x9d: {  	[timem:s7], [sflag:s22] =	dma.local [hbm:s5], s20  }
0x9e: {  	_ =	swait.ge [sflag:s22], s20  }
0x9f: {  	s4 =	ssub.s32 $0x0, s20;
	[sflag:s22] =	ssyncset.done $0x0  }
0xa0: {  	[sflag:s22] =	ssyncadd.s32 s4;
	_ =	sdelay $0x1  }
0xa1: {  	s23 =	simm.s32 $0x1B8B  }
0xa2: {  	_ =	swait.ge [sflag:s23], $0x1  }
0xa3: {  	[sflag:s23] =	ssyncset.done $0x0  }
0xa4: {  	s25 =	simm.s32 $0x1B8E;
	s24 =	sld [smem:$0x3FFE];
	[sflag:s23] =	ssyncadd.s32 $0xFFFFFFFF  }
0xa5: {  	s26 =	simm.s32 $execute0_lowered;
	[smem:$0x3FD2] =	sst s25  }
0xa6: {  	s5 =	sshll.u32 s26, $0x1;
	_ =	strace $0x80000046;
	[dreg:$0x1] =	wrdreg $0xFFFFFFFF  }
0xa7: {  	s28 =	simm.s32 $_size_execute0_lowered;
	s3 =	sadd.s32 s3, s5;
	[dreg:$0x0] =	wrdreg $0x0  }
0xa8: {  	s5 =	sshll.u32 s28, $0x1;
	[dreg:$0x2] =	wrdreg s3  }
0xa9: {  	[dreg:$0x3] =	wrdreg s5  }
0xaa: {  	[dreg:$0x4] =	wrdreg $0xC0  }
0xab: {  	_ =	task [dreg:s7], $0x5FFFF  }
0xac: {  	[dreg:$0x1] =	wrdreg $0xFFFFFFFF  }
0xad: {  	[dreg:$0x0] =	wrdreg $0x60  }
0xae: {  	[dreg:$0x2] =	wrdreg s2  }
0xaf: {  	[dreg:$0x3] =	wrdreg s24  }
0xb0: {  	[dreg:$0x4] =	wrdreg $0x9  }
0xb1: {  	_ =	task.clear_ibuf [dreg:s7], $0x5FFFF;
	_ =	strace $0x90000046  }
0xb2: {  	s29 =	simm.s32 $0x9;
	_ =	strace $0x80000048  }
0xb3: {  	_ =	swait.ge [sflag:s29], $0x1  }
0xb4: {  	[sflag:s29] =	ssyncadd.s32 $0xFFFFFFFF  }
0xb5: {  	_ =	strace $0x90000048  }
0xb6: {  	_ =	sfence  }
0xb7: {  	s30 =	sld [smem:$0x0];
	_ =	sdelay $0x2  }
0xb8: {  	s31 =	sshll.u32 s1, $0xD;
	s1 =	sshrl.u32 s1, $0x2  }
0xb9: {  	s3 =	sand.u32 $0x4000, s31;
	s1 =	sadd.s32 s1, s30  }
0xba: {  	s0 =	sor.u32 s3, s0;
	s1 =	sshll.u32 s1, $0x11  }
0xbb: {  	s0 =	sor.u32 s1, s0  }
0xbc: {  	s0 =	sadd.s32 $0x8F2B, s0  }
0xbd: {  	[sflag:s0] =	ssyncadd.remote.s32 $0x1  }
0xbe: {  	_ =	sfence.sel $0xFFFF  }
0xbf: {  	[dreg:$0x0] =	wrdreg $0xFFFFFFFF;
	(pc) =	sbr.abs _section_cstart, $3  }
0xc0: {  	[dreg:$0x1] =	wrdreg $0xFFFFFFFF  }
0xc1: {  	_ =	task.clear_ibuf [dreg:s7], $0x2FFFF;
	_ =	strace $0x9FFFFFFF  }
0xc2: {  	(tm) =	ssettm $0x7FFFFFFF  }
0xc3: {  	_ =	shalt  }
tec
execute0_lowered:
.L_overlay_start_1:
0x0: {  	(tag) =	ssettag $0x1  }
0x1: {  	s3 =	rddreg [dreg:$0x0]  }
0x2: {  	s4 =	rddreg [dreg:$0x1]  }
0x3: {  	s0 =	rddreg [dreg:$0x2];
	s1 =	stileid.u32;
	s2 =	simm.s32 $0x0  }
0x4: {  	s5 =	srdreg.scid;
	s10 =	simm.s32 $0x400;
	s6 =	sshll.u32 s1, $0x1  }
0x5: {  	[smem:$0x7FF] =	sst s2;
	s5 =	sand.u32 $0x1, s5;
	s7 =	sshrl.u32 s1, $0x2  }
0x6: {  	s6 =	sand.u32 $0x6, s6;
	_ =	strace $0x80000047;
	s30 =	sshll.u32 s7, $0xB  }
0x7: {  	s7 =	sshll.u32 s7, $0x8;
	s8 =	sor.u32 s5, s6;
	s5 =	ssub.s32 $0x2, s5  }
0x8: {  	s3 =	sadd.s32 s3, s7;
	s9 =	sshll.u32 s8, $0x4;
	s31 =	sshrl.u32 s5, $0x1  }
.Ltmp0:
0x9: {  	s11 =	sor.u32 $0x8, s8;
	s12 =	sor.u32 $0x10, s8;
	(pc) =	sbr.rel .LBB2_1-.Ltmp0, $4  }
0xa: {  	v0 =	vmov s8;
	s8 =	simm.s32 $0x1;
	s6 =	sor.u32 s30, s9;
	s9 =	ssub.s32 s5, s31  }
0xb: {  	v1 =	vmov s11;
	v2 =	vmov s12;
	s11 =	simm.s32 $0x800;
	p0 =	sgt.u32 s12, $0x15;
	s12 =	simm.s32 $0x0  }
0xc: {  	s6 =	sadd.s32 s6, s4;
	s7 =	smax.u32 s9, $0x1;
	s9 =	simm.s32 $0x80  }
0xd: {  	v3 =	vimm.f32 $0.0e+00;
	s4 =	sadd.s32 $0x400, s6;
	s5 =	sadd.s32 $0x2400, s6;
	s6 =	sadd.s32 $0x4400, s6  }
.LBB2_8:
0xe: {  	[tilespmem:s13+$0xFFFFFFD0] =	vst v9;
	v63 =	vsel vm0, $0x3F800000, v3;
	vm12 =	veq.s32 v7, v2  }
0xf: {  	vm13 =	veq.s32 v5, v2;
	[tilespmem:s13+$0xFFFFFFE0] =	vst v63;
	v7 =	vsel vm12, $0x3F800000, v3  }
0x10: {  	vm14 =	veq.s32 v4, v2;
	v5 =	vsel vm13, $0x3F800000, v3;
	[tilespmem:s13+$0xFFFFFFF0] =	vst v7  }
0x11: {  	vm15 =	veq.s32 v6, v2;
	v4 =	vsel vm14, $0x3F800000, v3;
	[tilespmem:s13+$0x0] =	vst v5  }
0x12: {  	vm1 =	veq.s32 v8, v2;
	[tilespmem:s13+$0x10] =	vst v4;
	v4 =	vsel vm15, $0x3F800000, v3  }
0x13: {  	v5 =	vsel vm1, $0x3F800000, v3;
	[tilespmem:s13+$0x20] =	vst v4  }
0x14: {  	[tilespmem:s13+$0xFFFFFFC0] =	vst v5  }
0x15: {  	[hbm4b:s6+s9] =	stream.strided.scatter [tilespmem:s11], [sflag:$0x1], $0x800, s10, s9, $0x38;
	[tilespmem:$0x1000] =	vst v63  }
0x16: {  	_ =	swait.ge [sflag:s8], $0x800  }
0x17: {  	[sflag:s8] =	ssyncset.done $0x0  }
0x18: {  	[sflag:s8] =	ssyncadd.s32 $0xFFFFF800  }
.LBB2_9:
0x19: {  	s12 =	sadd.s32 $0x1, s12  }
0x1a: {  	p1 =	sne.s32 s12, s7  }
.Ltmp1:
0x1b: {  	_ = 	snop;
	(pc) =	sbr.rel @!p1 .LBB2_10-.Ltmp1, $1  }
0x1c: {  	_ =	sdelay $0x3  }
.LBB2_1:
0x1d: {  	[tilespmem:s2], [sflag:$0x1] =	stream.linear.gather [hbm4b:s3+s2], $0x800, $0x38;
	[tilespmem:$0x1000] =	vst v63  }
0x1e: {  	_ =	swait.ge [sflag:s8], $0x800  }
0x1f: {  	[sflag:s8] =	ssyncset.done $0x0  }
0x20: {  	s15 =	simm.s32 $0x40;
	[sflag:s8] =	ssyncadd.s32 $0xFFFFF800  }
0x21: {  	v6 =	vld [tilespmem:s15+$0x30]  }
0x22: {  	v8 =	vld [tilespmem:s15+$0xFFFFFFD0]  }
0x23: {  	v10 =	vld [tilespmem:s15+$0xFFFFFFE0]  }
0x24: {  	v7 =	vld [tilespmem:s15+$0xFFFFFFF0]  }
0x25: {  	v5 =	vld [tilespmem:s15+$0x0]  }
0x26: {  	v4 =	vld [tilespmem:s15+$0x10];
	vm0 =	veq.s32 v6, v0  }
0x27: {  	s13 =	simm.s32 $0x840;
	vm1 =	veq.s32 v8, v0;
	v6 =	vld [tilespmem:s15+$0x20];
	v11 =	vsel vm0, $0x3F800000, v3  }
0x28: {  	s14 =	simm.s32 $0x0;
	v8 =	vld [tilespmem:s15+$0xFFFFFFC0];
	s15 =	simm.s32 $0xC0;
	v9 =	vsel vm1, $0x3F800000, v3;
	vm0 =	veq.s32 v10, v0;
	[tilespmem:s13+$0x30] =	vst v11  }
.LBB2_2:
0x29: {  	v10 =	vld [tilespmem:s15+$0x30];
	s14 =	sadd.s32 $0x80, s14;
	[tilespmem:s13+$0xFFFFFFD0] =	vst v9;
	v9 =	vsel vm0, $0x3F800000, v3;
	vm0 =	veq.s32 v7, v0  }
0x2a: {  	v11 =	vld [tilespmem:s15+$0xFFFFFFD0];
	p1 =	slt.u32 s14, $0x780;
	[tilespmem:s13+$0xFFFFFFE0] =	vst v9;
	v7 =	vsel vm0, $0x3F800000, v3;
	vm0 =	veq.s32 v5, v0  }
0x2b: {  	v12 =	vld [tilespmem:s15+$0xFFFFFFE0];
	[tilespmem:s13+$0xFFFFFFF0] =	vst v7;
	v5 =	vsel vm0, $0x3F800000, v3;
	vm0 =	veq.s32 v4, v0  }
.Ltmp2:
0x2c: {  	v7 =	vld [tilespmem:s15+$0xFFFFFFF0];
	[tilespmem:s13+$0x0] =	vst v5;
	v4 =	vsel vm0, $0x3F800000, v3;
	vm0 =	veq.s32 v6, v0;
	(pc) =	sbr.rel @p1 .LBB2_2-.Ltmp2, $4  }
0x2d: {  	v5 =	vld [tilespmem:s15+$0x0];
	vm1 =	veq.s32 v8, v0;
	[tilespmem:s13+$0x10] =	vst v4;
	v6 =	vsel vm0, $0x3F800000, v3  }
0x2e: {  	v4 =	vld [tilespmem:s15+$0x10];
	vm0 =	veq.s32 v10, v0;
	v8 =	vsel vm1, $0x3F800000, v3;
	[tilespmem:s13+$0x20] =	vst v6  }
0x2f: {  	vm1 =	veq.s32 v11, v0;
	v6 =	vld [tilespmem:s15+$0x20];
	v10 =	vsel vm0, $0x3F800000, v3;
	[tilespmem:s13+$0xFFFFFFC0] =	vst v8;
	s13 =	sadd.s32 $0x80, s13  }
0x30: {  	v8 =	vld [tilespmem:s15+$0xFFFFFFC0];
	v9 =	vsel vm1, $0x3F800000, v3;
	vm0 =	veq.s32 v12, v0;
	[tilespmem:s13+$0x30] =	vst v10;
	s15 =	sadd.s32 $0x80, s15  }
0x31: {  	[tilespmem:s13+$0xFFFFFFD0] =	vst v9;
	v9 =	vsel vm0, $0x3F800000, v3;
	vm0 =	veq.s32 v7, v0  }
0x32: {  	[tilespmem:s13+$0xFFFFFFE0] =	vst v9;
	v7 =	vsel vm0, $0x3F800000, v3;
	vm0 =	veq.s32 v5, v0  }
0x33: {  	[tilespmem:s13+$0xFFFFFFF0] =	vst v7;
	v5 =	vsel vm0, $0x3F800000, v3;
	vm0 =	veq.s32 v4, v0  }
0x34: {  	[tilespmem:s13+$0x0] =	vst v5;
	v4 =	vsel vm0, $0x3F800000, v3;
	vm0 =	veq.s32 v6, v0  }
0x35: {  	vm1 =	veq.s32 v8, v0;
	[tilespmem:s13+$0x10] =	vst v4;
	v4 =	vsel vm0, $0x3F800000, v3  }
0x36: {  	v5 =	vsel vm1, $0x3F800000, v3;
	[tilespmem:s13+$0x20] =	vst v4  }
0x37: {  	[tilespmem:s13+$0xFFFFFFC0] =	vst v5  }
0x38: {  	[hbm4b:s4+s9] =	stream.strided.scatter [tilespmem:s11], [sflag:$0x1], $0x800, s10, s9, $0x38;
	[tilespmem:$0x1000] =	vst v63  }
0x39: {  	_ =	swait.ge [sflag:s8], $0x800  }
0x3a: {  	[sflag:s8] =	ssyncset.done $0x0  }
0x3b: {  	s15 =	simm.s32 $0x40;
	[sflag:s8] =	ssyncadd.s32 $0xFFFFF800  }
0x3c: {  	v6 =	vld [tilespmem:s15+$0x30]  }
0x3d: {  	v8 =	vld [tilespmem:s15+$0xFFFFFFD0]  }
0x3e: {  	v10 =	vld [tilespmem:s15+$0xFFFFFFE0]  }
0x3f: {  	v7 =	vld [tilespmem:s15+$0xFFFFFFF0]  }
0x40: {  	v5 =	vld [tilespmem:s15+$0x0]  }
0x41: {  	v4 =	vld [tilespmem:s15+$0x10];
	vm0 =	veq.s32 v6, v1  }
0x42: {  	s13 =	simm.s32 $0x840;
	vm1 =	veq.s32 v8, v1;
	v6 =	vld [tilespmem:s15+$0x20];
	v11 =	vsel vm0, $0x3F800000, v3  }
0x43: {  	s14 =	simm.s32 $0x0;
	v8 =	vld [tilespmem:s15+$0xFFFFFFC0];
	s15 =	simm.s32 $0xC0;
	v9 =	vsel vm1, $0x3F800000, v3;
	vm0 =	veq.s32 v10, v1;
	[tilespmem:s13+$0x30] =	vst v11  }
.LBB2_4:
0x44: {  	v10 =	vld [tilespmem:s15+$0x30];
	s14 =	sadd.s32 $0x80, s14;
	[tilespmem:s13+$0xFFFFFFD0] =	vst v9;
	v9 =	vsel vm0, $0x3F800000, v3;
	vm0 =	veq.s32 v7, v1  }
0x45: {  	v11 =	vld [tilespmem:s15+$0xFFFFFFD0];
	p1 =	slt.u32 s14, $0x780;
	[tilespmem:s13+$0xFFFFFFE0] =	vst v9;
	v7 =	vsel vm0, $0x3F800000, v3;
	vm0 =	veq.s32 v5, v1  }
0x46: {  	v12 =	vld [tilespmem:s15+$0xFFFFFFE0];
	[tilespmem:s13+$0xFFFFFFF0] =	vst v7;
	v5 =	vsel vm0, $0x3F800000, v3;
	vm0 =	veq.s32 v4, v1  }
.Ltmp3:
0x47: {  	v7 =	vld [tilespmem:s15+$0xFFFFFFF0];
	[tilespmem:s13+$0x0] =	vst v5;
	v4 =	vsel vm0, $0x3F800000, v3;
	vm0 =	veq.s32 v6, v1;
	(pc) =	sbr.rel @p1 .LBB2_4-.Ltmp3, $4  }
0x48: {  	v5 =	vld [tilespmem:s15+$0x0];
	vm1 =	veq.s32 v8, v1;
	[tilespmem:s13+$0x10] =	vst v4;
	v6 =	vsel vm0, $0x3F800000, v3  }
0x49: {  	v4 =	vld [tilespmem:s15+$0x10];
	vm0 =	veq.s32 v10, v1;
	v8 =	vsel vm1, $0x3F800000, v3;
	[tilespmem:s13+$0x20] =	vst v6  }
0x4a: {  	vm1 =	veq.s32 v11, v1;
	v6 =	vld [tilespmem:s15+$0x20];
	v10 =	vsel vm0, $0x3F800000, v3;
	[tilespmem:s13+$0xFFFFFFC0] =	vst v8;
	s13 =	sadd.s32 $0x80, s13  }
0x4b: {  	v8 =	vld [tilespmem:s15+$0xFFFFFFC0];
	v9 =	vsel vm1, $0x3F800000, v3;
	vm0 =	veq.s32 v12, v1;
	[tilespmem:s13+$0x30] =	vst v10;
	s15 =	sadd.s32 $0x80, s15  }
0x4c: {  	[tilespmem:s13+$0xFFFFFFD0] =	vst v9;
	v63 =	vsel vm0, $0x3F800000, v3;
	vm12 =	veq.s32 v7, v1  }
0x4d: {  	[tilespmem:s13+$0xFFFFFFE0] =	vst v63;
	v7 =	vsel vm12, $0x3F800000, v3;
	vm13 =	veq.s32 v5, v1  }
0x4e: {  	[tilespmem:s13+$0xFFFFFFF0] =	vst v7;
	v5 =	vsel vm13, $0x3F800000, v3;
	vm14 =	veq.s32 v4, v1  }
0x4f: {  	[tilespmem:s13+$0x0] =	vst v5;
	v4 =	vsel vm14, $0x3F800000, v3;
	vm15 =	veq.s32 v6, v1  }
0x50: {  	vm1 =	veq.s32 v8, v1;
	[tilespmem:s13+$0x10] =	vst v4;
	v4 =	vsel vm15, $0x3F800000, v3  }
0x51: {  	v5 =	vsel vm1, $0x3F800000, v3;
	[tilespmem:s13+$0x20] =	vst v4  }
.Ltmp4:
0x52: {  	[tilespmem:s13+$0xFFFFFFC0] =	vst v5;
	(pc) =	sbr.rel @p0 .LBB2_9-.Ltmp4, $4  }
0x53: {  	[hbm4b:s5+s9] =	stream.strided.scatter [tilespmem:s11], [sflag:$0x1], $0x800, s10, s9, $0x38;
	[tilespmem:$0x1000] =	vst v63  }
0x54: {  	_ =	swait.ge [sflag:s8], $0x800  }
0x55: {  	[sflag:s8] =	ssyncset.done $0x0  }
0x56: {  	[sflag:s8] =	ssyncadd.s32 $0xFFFFF800  }
0x57: {  	s15 =	simm.s32 $0x40  }
0x58: {  	v6 =	vld [tilespmem:s15+$0x30]  }
0x59: {  	v8 =	vld [tilespmem:s15+$0xFFFFFFD0]  }
0x5a: {  	v10 =	vld [tilespmem:s15+$0xFFFFFFE0]  }
0x5b: {  	v7 =	vld [tilespmem:s15+$0xFFFFFFF0]  }
0x5c: {  	v5 =	vld [tilespmem:s15+$0x0]  }
0x5d: {  	v4 =	vld [tilespmem:s15+$0x10];
	vm0 =	veq.s32 v6, v2  }
0x5e: {  	s13 =	simm.s32 $0x840;
	vm1 =	veq.s32 v8, v2;
	v6 =	vld [tilespmem:s15+$0x20];
	v11 =	vsel vm0, $0x3F800000, v3  }
0x5f: {  	s14 =	simm.s32 $0x0;
	v8 =	vld [tilespmem:s15+$0xFFFFFFC0];
	s15 =	simm.s32 $0xC0;
	v9 =	vsel vm1, $0x3F800000, v3;
	vm0 =	veq.s32 v10, v2;
	[tilespmem:s13+$0x30] =	vst v11  }
.LBB2_7:
0x60: {  	v10 =	vld [tilespmem:s15+$0x30];
	s14 =	sadd.s32 $0x80, s14;
	[tilespmem:s13+$0xFFFFFFD0] =	vst v9;
	v9 =	vsel vm0, $0x3F800000, v3;
	vm0 =	veq.s32 v7, v2  }
0x61: {  	v11 =	vld [tilespmem:s15+$0xFFFFFFD0];
	p1 =	slt.u32 s14, $0x780;
	[tilespmem:s13+$0xFFFFFFE0] =	vst v9;
	v7 =	vsel vm0, $0x3F800000, v3;
	vm0 =	veq.s32 v5, v2  }
0x62: {  	v12 =	vld [tilespmem:s15+$0xFFFFFFE0];
	[tilespmem:s13+$0xFFFFFFF0] =	vst v7;
	v5 =	vsel vm0, $0x3F800000, v3;
	vm0 =	veq.s32 v4, v2  }
.Ltmp5:
0x63: {  	v7 =	vld [tilespmem:s15+$0xFFFFFFF0];
	[tilespmem:s13+$0x0] =	vst v5;
	v4 =	vsel vm0, $0x3F800000, v3;
	vm0 =	veq.s32 v6, v2;
	(pc) =	sbr.rel @p1 .LBB2_7-.Ltmp5, $4  }
0x64: {  	vm1 =	veq.s32 v8, v2;
	v5 =	vld [tilespmem:s15+$0x0];
	[tilespmem:s13+$0x10] =	vst v4;
	v6 =	vsel vm0, $0x3F800000, v3  }
0x65: {  	v8 =	vsel vm1, $0x3F800000, v3;
	v4 =	vld [tilespmem:s15+$0x10];
	vm0 =	veq.s32 v10, v2;
	[tilespmem:s13+$0x20] =	vst v6  }
0x66: {  	vm1 =	veq.s32 v11, v2;
	v6 =	vld [tilespmem:s15+$0x20];
	v10 =	vsel vm0, $0x3F800000, v3;
	[tilespmem:s13+$0xFFFFFFC0] =	vst v8;
	s13 =	sadd.s32 $0x80, s13  }
0x67: {  	v8 =	vld [tilespmem:s15+$0xFFFFFFC0];
	v9 =	vsel vm1, $0x3F800000, v3;
	vm0 =	veq.s32 v12, v2;
	[tilespmem:s13+$0x30] =	vst v10;
	s15 =	sadd.s32 $0x80, s15  }
.Ltmp6:
0x68: {  	_ = 	snop;
	(pc) =	sbr.rel .LBB2_8-.Ltmp6, $1  }
0x69: {  	_ =	sdelay $0x3  }
.LBB2_10:
0x6a: {  	_ =	sfence.sel $0x180000  }
0x6b: {  	[bflag:$0x0] =	sbarrier.arrive $0xFFFF  }
0x6c: {  	p0 =	sne.s32 s1, $0x0;
	_ =	strace $0x90000047  }
0x6d: {  	s0 =	sadd.s32 @!p0 $0x100000, s0;
	[bflag:$0x2] =	sbarrier.arrive $0xFFFF  }
0x6e: {  	[sflag:s0] =	ssyncadd.tile.s32 @!p0 $0x1;
	_ =	shalt  }
.Lfunc_end2:
_tile_overlayer_lowered:
.L_overlay_start_2:
0x6f: {  	(tag) =	ssettag $0x2  }
0x70: {  	s0 =	rddreg [dreg:$0x0];
	s2 =	stileid.u32  }
0x71: {  	s1 =	rddreg [dreg:$0x1];
	p0 =	sne.s32 s2, $0x0  }
0x72: {  	s3 =	rddreg [dreg:$0x2];
	[bflag:$0x3] =	sbarrier.arrive $0xFFFF;
	s2 =	simm.s32 @!p0 $0x1C01  }
0x73: {  	[timem:s3], [sflag:s2] =	dma.local @!p0 [hbm:s0], s1  }
0x74: {  	s0 =	simm.s32 @!p0 $0x1  }
0x75: {  	_ =	swait.ge @!p0 [sflag:s0], s1  }
0x76: {  	s1 =	ssub.s32 @!p0 $0x0, s1;
	[sflag:s0] =	ssyncset.done @!p0 $0x0  }
0x77: {  	[sflag:s0] =	ssyncadd.s32 @!p0 s1  }
0x78: {  	[bflag:$0x3] =	sbarrier.arrive $0xFFFF  }
0x79: {  	_ =	shalt  }

</sc_bundles>
